<compile_context>
chip_gen: v7x
topology: tpu7x:2x2x1
jax: 0.10.2.dev20260603
libtpu: 0.0.44.dev20260713+nightly
codegen_flags: <defaults>
</compile_context>

<pallas_src>
import functools

import jax
import jax.numpy as jnp
from jax import lax
from jax.experimental import pallas as pl
from jax.experimental.pallas import tpu as pltpu
from jax.experimental.pallas import tpu_sc as plsc

_NC = 2
_NS = 16
_NW = _NC * _NS
_LANES = 16

_BATCH = 128
_ROW_BLK = 1280
_SHIFT = 14


def _node_kernel(x_ref, bf_ref, w1_ref, w2_ref, bn_ref, o_ref):
    a = x_ref[...] + bf_ref[...]
    dn = (((1,), (1,)), ((), ()))
    nf = lax.dot_general(a, w1_ref[...], dn,
                         preferred_element_type=jnp.float32)
    o_ref[...] = lax.dot_general(nf, w2_ref[...], dn,
                                 preferred_element_type=jnp.float32) + bn_ref[...]


def _sum2_kernel(a_ref, o_ref):
    o_ref[...] = a_ref[0] + a_ref[1]


def _make_sc_agg(n_pad, h, nb):
    rows_per_tile = n_pad // _NS
    zero_blks = rows_per_tile // _BATCH
    mesh = plsc.VectorSubcoreMesh(core_axis_name="c", subcore_axis_name="s",
                                  num_cores=_NC, num_subcores=_NS)

    @functools.partial(
        pl.kernel,
        out_type=jax.ShapeDtypeStruct((_NC, n_pad, h), jnp.float32),
        mesh=mesh,
        scratch_types=[
            pltpu.VMEM((nb, _BATCH), jnp.int32),
            pltpu.VMEM((_BATCH,), jnp.int32),
            pltpu.VMEM((_BATCH,), jnp.int32),
            pltpu.VMEM((_BATCH, h), jnp.float32),
            pltpu.VMEM_SHARED((n_pad, h), jnp.float32),
        ],
    )
    def sc_agg(t_hbm, edges_hbm, out_hbm, pk_v, s0, d0, buf0, acc):
        cid = lax.axis_index("c")
        sid = lax.axis_index("s")
        wid = cid * _NS + sid
        r0 = sid * rows_per_tile

        pltpu.sync_copy(edges_hbm.at[wid], pk_v)

        def zrow(r, carry):
            for k in range(h // _LANES):
                buf0[r, pl.ds(k * _LANES, _LANES)] = jnp.zeros(
                    (_LANES,), jnp.float32)
            return carry

        lax.fori_loop(0, _BATCH, zrow, 0)
        for b in range(zero_blks):
            pltpu.sync_copy(buf0, acc.at[pl.ds(r0 + b * _BATCH, _BATCH)])

        plsc.subcore_barrier()

        mask = (1 << _SHIFT) - 1

        def unpack(j, s_ref, d_ref):
            for k in range(_BATCH // _LANES):
                sl = pl.ds(k * _LANES, _LANES)
                v = pk_v[j, sl]
                s_ref[sl] = lax.bitwise_and(v, mask)
                d_ref[sl] = lax.shift_right_logical(v, _SHIFT)

        def body(j, carry):
            unpack(j, s0, d0)
            pltpu.sync_copy(t_hbm.at[s0], buf0)
            pltpu.sync_copy(buf0, acc.at[d0], add=True)
            return carry

        lax.fori_loop(0, nb, body, 0)

        plsc.subcore_barrier()
        pltpu.sync_copy(acc.at[pl.ds(r0, rows_per_tile)],
                        out_hbm.at[cid, pl.ds(r0, rows_per_tile)])

    return sc_agg


def kernel(x, edge_index, b_feat, W_feat, W_n, b_n):
    n, f = x.shape
    h = W_n.shape[0]
    e = edge_index.shape[1]
    n_pad = 10240

    nb = -(-e // (_NW * _BATCH))
    e_pad = _NW * nb * _BATCH

    x_pad = jnp.zeros((n_pad, f), jnp.float32).at[:n].set(x)
    src = jnp.pad(edge_index[0].astype(jnp.int32), (0, e_pad - e))
    dst = jnp.pad(edge_index[1].astype(jnp.int32), (0, e_pad - e),
                  constant_values=n)
    packed = jnp.bitwise_or(src, jnp.left_shift(dst, _SHIFT))
    packed_r = packed.reshape(_NW, nb, _BATCH)
    bn_row = b_n.reshape(1, h)

    grid = n_pad // _ROW_BLK
    t = pl.pallas_call(
        _node_kernel,
        grid=(grid,),
        in_specs=[pl.BlockSpec((_ROW_BLK, f), lambda i: (i, 0)),
                  pl.BlockSpec((1, f), lambda i: (0, 0)),
                  pl.BlockSpec((h, f), lambda i: (0, 0)),
                  pl.BlockSpec((h, h), lambda i: (0, 0)),
                  pl.BlockSpec((1, h), lambda i: (0, 0))],
        out_specs=pl.BlockSpec((_ROW_BLK, h), lambda i: (i, 0)),
        out_shape=jax.ShapeDtypeStruct((n_pad, h), jnp.float32),
    )(x_pad, b_feat, W_feat, W_n, bn_row)

    acc = _make_sc_agg(n_pad, h, nb)(t, packed_r)

    out = pl.pallas_call(
        _sum2_kernel,
        grid=(grid,),
        in_specs=[pl.BlockSpec((_NC, _ROW_BLK, h), lambda i: (0, i, 0))],
        out_specs=pl.BlockSpec((_ROW_BLK, h), lambda i: (i, 0)),
        out_shape=jax.ShapeDtypeStruct((n_pad, h), jnp.float32),
    )(acc)

    return out[:n]

# --- scband reference (transcript-rebuilt; emitter-appended) ---
"""Pipeline reference for scband-tree-lstmcell-12610023981838 (READ-ONLY COPY).

The authoritative reference and input builder live on the scoring server;
editing this copy changes nothing except your own understanding.
"""

import jax, jax.numpy as jnp
import numpy as np

N_NODES = 10000
N_EDGES = 320000
FEAT = 128
HID = 128

def setup_inputs(seed: int = 0) -> dict:
    key = jax.random.key(seed)
    k1, k2, k3, k4, k5 = jax.random.split(key, 5)
    x = jax.random.normal(k1, (N_NODES, FEAT), dtype=jnp.float32)
    edge_index = jax.random.randint(k2, (2, N_EDGES), 0, N_NODES, dtype=jnp.int64)
    # learned parameters
    b_feat = jnp.zeros((1, FEAT), dtype=jnp.float32)  # nn.Parameter(th.zeros(1, feat_size))
    W_feat = jax.random.normal(k3, (HID, FEAT), dtype=jnp.float32) * 0.05  # feat_layer (no bias)
    W_n = jax.random.normal(k4, (HID, HID), dtype=jnp.float32) * 0.05  # n_feat_layer weight
    b_n = jax.random.normal(k5, (HID,), dtype=jnp.float32) * 0.05  # n_feat_layer bias
    return {"x": x, "edge_index": edge_index, "b_feat": b_feat, "W_feat": W_feat, "W_n": W_n, "b_n": b_n}

def reference(x, edge_index, b_feat, W_feat, W_n, b_n):
    # apply_node_func: n_feat = feat_layer(feat + b_feat)
    n_feat = (x + b_feat) @ W_feat.T  # [N, HID]
    src = edge_index[0]
    dst = edge_index[1]
    # message_func: gather src 'n_feat' along edges
    msg = jnp.take(n_feat, src, axis=0)  # [E, HID]
    # reduce_func: sum over incoming messages of n_feat_layer(n_feat)
    transformed = msg @ W_n.T + b_n  # [E, HID]
    out = jax.ops.segment_sum(transformed, dst, num_segments=x.shape[0])  # [N, HID]
    return out

if __name__ == "__main__":
    import jax
    _d = setup_inputs()
    print(jax.jit(kernel)(*tuple(_d.values())))

</pallas_src>

<mosaic_0001>
#map = affine_map<(d0, d1) -> (0, 0)>
#map1 = affine_map<(d0, d1) -> (0, 0, 0)>
module attributes {stable_mosaic.version = 14 : i64} {
  func.func @sc_agg(%arg0: i32, %arg1: i32, %arg2: memref<10240x128xf32, #tpu.memory_space<hbm>>, %arg3: memref<32x79x128xi32, #tpu.memory_space<hbm>>, %arg4: memref<2x10240x128xf32, #tpu.memory_space<hbm>>, %arg5: memref<79x128xi32, #tpu.memory_space<vmem>>, %arg6: memref<128xi32, #tpu.memory_space<vmem>>, %arg7: memref<128xi32, #tpu.memory_space<vmem>>, %arg8: memref<128x128xf32, #tpu.memory_space<vmem>>, %arg9: memref<10240x128xf32, #tpu.memory_space<vmem_shared>>) attributes {dimension_semantics = [#tpu.dimension_semantics<core_parallel>, #tpu.dimension_semantics<subcore_parallel>], iteration_bounds = array<i64: 2, 16>, scalar_prefetch = 0 : i64, scratch_operands = 5 : i64, tpu.core_type = #tpu.core_type<sc_vector_subcore>, window_params = [{transform_indices = #map}, {transform_indices = #map1}, {transform_indices = #map1}]} {
    %mul3A = arith.constant 16 : i32
    %mul3A_0 = arith.muli %arg0, %mul3A : i32
    %add3A = arith.addi %mul3A_0, %arg1 : i32
    %mul3A_1 = arith.constant 640 : i32
    %mul3A_2 = arith.muli %arg1, %mul3A_1 : i32
    "tpu.region"() ({
      %run_scoped3A = tpu.sem_alloc : memref<!tpu.dma_semaphore, #tpu.memory_space<semaphore_mem>>
      %dma_start3A = arith.constant 0 : i32
      %dma_start3A_25 = arith.constant 0 : i32
      %dma_start3A_26 = tpu.memref_slice %arg3[%add3A, %dma_start3A, %dma_start3A_25] : memref<32x79x128xi32, #tpu.memory_space<hbm>> -> memref<1x79x128xi32, #tpu.memory_space<hbm>>
      %dma_start3A_27 = tpu.memref_squeeze %dma_start3A_26 : memref<1x79x128xi32, #tpu.memory_space<hbm>> -> memref<79x128xi32, #tpu.memory_space<hbm>>
      %dma_start3A_28 = arith.constant 0 : i32
      %dma_start3A_29 = arith.constant 0 : i32
      %dma_start3A_30 = tpu.memref_slice %arg3[%add3A, %dma_start3A_28, %dma_start3A_29] : memref<32x79x128xi32, #tpu.memory_space<hbm>> -> memref<1x79x128xi32, #tpu.memory_space<hbm>>
      %dma_start3A_31 = tpu.memref_squeeze %dma_start3A_30 : memref<1x79x128xi32, #tpu.memory_space<hbm>> -> memref<79x128xi32, #tpu.memory_space<hbm>>
      tpu.enqueue_dma source(%dma_start3A_31 : memref<79x128xi32, #tpu.memory_space<hbm>>) target(%arg5 : memref<79x128xi32, #tpu.memory_space<vmem>>) target_semaphore(%run_scoped3A : memref<!tpu.dma_semaphore, #tpu.memory_space<semaphore_mem>>)
      %dma_wait3A = arith.constant 0 : i32
      %dma_wait3A_32 = arith.constant 0 : i32
      %dma_wait3A_33 = tpu.memref_slice %arg3[%add3A, %dma_wait3A, %dma_wait3A_32] : memref<32x79x128xi32, #tpu.memory_space<hbm>> -> memref<1x79x128xi32, #tpu.memory_space<hbm>>
      %dma_wait3A_34 = tpu.memref_squeeze %dma_wait3A_33 : memref<1x79x128xi32, #tpu.memory_space<hbm>> -> memref<79x128xi32, #tpu.memory_space<hbm>>
      %dma_wait3A_35 = arith.constant 0 : i32
      %dma_wait3A_36 = arith.constant 0 : i32
      %dma_wait3A_37 = tpu.memref_slice %arg3[%add3A, %dma_wait3A_35, %dma_wait3A_36] : memref<32x79x128xi32, #tpu.memory_space<hbm>> -> memref<1x79x128xi32, #tpu.memory_space<hbm>>
      %dma_wait3A_38 = tpu.memref_squeeze %dma_wait3A_37 : memref<1x79x128xi32, #tpu.memory_space<hbm>> -> memref<79x128xi32, #tpu.memory_space<hbm>>
      tpu.wait_dma2 semaphore(%run_scoped3A : memref<!tpu.dma_semaphore, #tpu.memory_space<semaphore_mem>>) src(%dma_wait3A_38 : memref<79x128xi32, #tpu.memory_space<hbm>>) dst(%arg5 : memref<79x128xi32, #tpu.memory_space<vmem>>)
      tpu.yield
    }) : () -> ()
    %scan3A = arith.constant 0 : i32
    %scan3A_3 = arith.constant 0 : i32
    %scan3A_4 = arith.constant 128 : i32
    %scan3A_5 = arith.addi %scan3A_3, %scan3A_4 : i32
    %scan3A_6 = arith.constant 1 : i32
    scf.for %scan3A_25 = %scan3A_3 to %scan3A_5 step %scan3A_6  : i32 {
      %broadcast_in_dim3A = arith.constant 0.000000e+00 : f32
      %broadcast_in_dim3A_26 = vector.broadcast %broadcast_in_dim3A : f32 to vector<16xf32>
      %swap3A = arith.index_cast %scan3A_25 : i32 to index
      %swap3A_27 = arith.constant 0 : index
      %swap3A_28 = tpu.vector_load %arg8[%swap3A, %swap3A_27] {strides = array<i32>} : memref<128x128xf32, #tpu.memory_space<vmem>>, vector<1x16xf32>,
      %swap3A_29 = vector.shape_cast %swap3A_28 : vector<1x16xf32> to vector<16xf32>
      %swap3A_30 = vector.shape_cast %broadcast_in_dim3A_26 : vector<16xf32> to vector<1x16xf32>
      tpu.vector_store %arg8[%swap3A, %swap3A_27], %swap3A_30 {strides = array<i32>} : memref<128x128xf32, #tpu.memory_space<vmem>>, vector<1x16xf32>,
      %broadcast_in_dim3A_31 = arith.constant 0.000000e+00 : f32
      %broadcast_in_dim3A_32 = vector.broadcast %broadcast_in_dim3A_31 : f32 to vector<16xf32>
      %swap3A_33 = arith.index_cast %scan3A_25 : i32 to index
      %swap3A_34 = arith.constant 16 : index
      %swap3A_35 = tpu.vector_load %arg8[%swap3A_33, %swap3A_34] {strides = array<i32>} : memref<128x128xf32, #tpu.memory_space<vmem>>, vector<1x16xf32>,
      %swap3A_36 = vector.shape_cast %swap3A_35 : vector<1x16xf32> to vector<16xf32>
      %swap3A_37 = vector.shape_cast %broadcast_in_dim3A_32 : vector<16xf32> to vector<1x16xf32>
      tpu.vector_store %arg8[%swap3A_33, %swap3A_34], %swap3A_37 {strides = array<i32>} : memref<128x128xf32, #tpu.memory_space<vmem>>, vector<1x16xf32>,
      %broadcast_in_dim3A_38 = arith.constant 0.000000e+00 : f32
      %broadcast_in_dim3A_39 = vector.broadcast %broadcast_in_dim3A_38 : f32 to vector<16xf32>
      %swap3A_40 = arith.index_cast %scan3A_25 : i32 to index
      %swap3A_41 = arith.constant 32 : index
      %swap3A_42 = tpu.vector_load %arg8[%swap3A_40, %swap3A_41] {strides = array<i32>} : memref<128x128xf32, #tpu.memory_space<vmem>>, vector<1x16xf32>,
      %swap3A_43 = vector.shape_cast %swap3A_42 : vector<1x16xf32> to vector<16xf32>
      %swap3A_44 = vector.shape_cast %broadcast_in_dim3A_39 : vector<16xf32> to vector<1x16xf32>
      tpu.vector_store %arg8[%swap3A_40, %swap3A_41], %swap3A_44 {strides = array<i32>} : memref<128x128xf32, #tpu.memory_space<vmem>>, vector<1x16xf32>,
      %broadcast_in_dim3A_45 = arith.constant 0.000000e+00 : f32
      %broadcast_in_dim3A_46 = vector.broadcast %broadcast_in_dim3A_45 : f32 to vector<16xf32>
      %swap3A_47 = arith.index_cast %scan3A_25 : i32 to index
      %swap3A_48 = arith.constant 48 : index
      %swap3A_49 = tpu.vector_load %arg8[%swap3A_47, %swap3A_48] {strides = array<i32>} : memref<128x128xf32, #tpu.memory_space<vmem>>, vector<1x16xf32>,
      %swap3A_50 = vector.shape_cast %swap3A_49 : vector<1x16xf32> to vector<16xf32>
      %swap3A_51 = vector.shape_cast %broadcast_in_dim3A_46 : vector<16xf32> to vector<1x16xf32>
      tpu.vector_store %arg8[%swap3A_47, %swap3A_48], %swap3A_51 {strides = array<i32>} : memref<128x128xf32, #tpu.memory_space<vmem>>, vector<1x16xf32>,
      %broadcast_in_dim3A_52 = arith.constant 0.000000e+00 : f32
      %broadcast_in_dim3A_53 = vector.broadcast %broadcast_in_dim3A_52 : f32 to vector<16xf32>
      %swap3A_54 = arith.index_cast %scan3A_25 : i32 to index
      %swap3A_55 = arith.constant 64 : index
      %swap3A_56 = tpu.vector_load %arg8[%swap3A_54, %swap3A_55] {strides = array<i32>} : memref<128x128xf32, #tpu.memory_space<vmem>>, vector<1x16xf32>,
      %swap3A_57 = vector.shape_cast %swap3A_56 : vector<1x16xf32> to vector<16xf32>
      %swap3A_58 = vector.shape_cast %broadcast_in_dim3A_53 : vector<16xf32> to vector<1x16xf32>
      tpu.vector_store %arg8[%swap3A_54, %swap3A_55], %swap3A_58 {strides = array<i32>} : memref<128x128xf32, #tpu.memory_space<vmem>>, vector<1x16xf32>,
      %broadcast_in_dim3A_59 = arith.constant 0.000000e+00 : f32
      %broadcast_in_dim3A_60 = vector.broadcast %broadcast_in_dim3A_59 : f32 to vector<16xf32>
      %swap3A_61 = arith.index_cast %scan3A_25 : i32 to index
      %swap3A_62 = arith.constant 80 : index
      %swap3A_63 = tpu.vector_load %arg8[%swap3A_61, %swap3A_62] {strides = array<i32>} : memref<128x128xf32, #tpu.memory_space<vmem>>, vector<1x16xf32>,
      %swap3A_64 = vector.shape_cast %swap3A_63 : vector<1x16xf32> to vector<16xf32>
      %swap3A_65 = vector.shape_cast %broadcast_in_dim3A_60 : vector<16xf32> to vector<1x16xf32>
      tpu.vector_store %arg8[%swap3A_61, %swap3A_62], %swap3A_65 {strides = array<i32>} : memref<128x128xf32, #tpu.memory_space<vmem>>, vector<1x16xf32>,
      %broadcast_in_dim3A_66 = arith.constant 0.000000e+00 : f32
      %broadcast_in_dim3A_67 = vector.broadcast %broadcast_in_dim3A_66 : f32 to vector<16xf32>
      %swap3A_68 = arith.index_cast %scan3A_25 : i32 to index
      %swap3A_69 = arith.constant 96 : index
      %swap3A_70 = tpu.vector_load %arg8[%swap3A_68, %swap3A_69] {strides = array<i32>} : memref<128x128xf32, #tpu.memory_space<vmem>>, vector<1x16xf32>,
      %swap3A_71 = vector.shape_cast %swap3A_70 : vector<1x16xf32> to vector<16xf32>
      %swap3A_72 = vector.shape_cast %broadcast_in_dim3A_67 : vector<16xf32> to vector<1x16xf32>
      tpu.vector_store %arg8[%swap3A_68, %swap3A_69], %swap3A_72 {strides = array<i32>} : memref<128x128xf32, #tpu.memory_space<vmem>>, vector<1x16xf32>,
      %broadcast_in_dim3A_73 = arith.constant 0.000000e+00 : f32
      %broadcast_in_dim3A_74 = vector.broadcast %broadcast_in_dim3A_73 : f32 to vector<16xf32>
      %swap3A_75 = arith.index_cast %scan3A_25 : i32 to index
      %swap3A_76 = arith.constant 112 : index
      %swap3A_77 = tpu.vector_load %arg8[%swap3A_75, %swap3A_76] {strides = array<i32>} : memref<128x128xf32, #tpu.memory_space<vmem>>, vector<1x16xf32>,
      %swap3A_78 = vector.shape_cast %swap3A_77 : vector<1x16xf32> to vector<16xf32>
      %swap3A_79 = vector.shape_cast %broadcast_in_dim3A_74 : vector<16xf32> to vector<1x16xf32>
      tpu.vector_store %arg8[%swap3A_75, %swap3A_76], %swap3A_79 {strides = array<i32>} : memref<128x128xf32, #tpu.memory_space<vmem>>, vector<1x16xf32>,
    }
    %scan3A_7 = arith.constant 128 : i32
    %add3A_8 = arith.constant 0 : i32
    %add3A_9 = arith.addi %mul3A_2, %add3A_8 : i32
    "tpu.region"() ({
      %run_scoped3A = tpu.sem_alloc : memref<!tpu.dma_semaphore, #tpu.memory_space<semaphore_mem>>
      %dma_start3A = arith.constant 0 : i32
      %dma_start3A_25 = tpu.memref_slice %arg9[%add3A_9, %dma_start3A] : memref<10240x128xf32, #tpu.memory_space<vmem_shared>> -> memref<128x128xf32, #tpu.memory_space<vmem_shared>>
      %dma_start3A_26 = arith.constant 0 : i32
      %dma_start3A_27 = tpu.memref_slice %arg9[%add3A_9, %dma_start3A_26] : memref<10240x128xf32, #tpu.memory_space<vmem_shared>> -> memref<128x128xf32, #tpu.memory_space<vmem_shared>>
      tpu.enqueue_dma source(%arg8 : memref<128x128xf32, #tpu.memory_space<vmem>>) target(%dma_start3A_27 : memref<128x128xf32, #tpu.memory_space<vmem_shared>>) target_semaphore(%run_scoped3A : memref<!tpu.dma_semaphore, #tpu.memory_space<semaphore_mem>>)
      %dma_wait3A = arith.constant 0 : i32
      %dma_wait3A_28 = tpu.memref_slice %arg9[%add3A_9, %dma_wait3A] : memref<10240x128xf32, #tpu.memory_space<vmem_shared>> -> memref<128x128xf32, #tpu.memory_space<vmem_shared>>
      %dma_wait3A_29 = arith.constant 0 : i32
      %dma_wait3A_30 = tpu.memref_slice %arg9[%add3A_9, %dma_wait3A_29] : memref<10240x128xf32, #tpu.memory_space<vmem_shared>> -> memref<128x128xf32, #tpu.memory_space<vmem_shared>>
      tpu.wait_dma2 semaphore(%run_scoped3A : memref<!tpu.dma_semaphore, #tpu.memory_space<semaphore_mem>>) src(%arg8 : memref<128x128xf32, #tpu.memory_space<vmem>>) dst(%dma_wait3A_30 : memref<128x128xf32, #tpu.memory_space<vmem_shared>>)
      tpu.yield
    }) : () -> ()
    %add3A_10 = arith.constant 128 : i32
    %add3A_11 = arith.addi %mul3A_2, %add3A_10 : i32
    "tpu.region"() ({
      %run_scoped3A = tpu.sem_alloc : memref<!tpu.dma_semaphore, #tpu.memory_space<semaphore_mem>>
      %dma_start3A = arith.constant 0 : i32
      %dma_start3A_25 = tpu.memref_slice %arg9[%add3A_11, %dma_start3A] : memref<10240x128xf32, #tpu.memory_space<vmem_shared>> -> memref<128x128xf32, #tpu.memory_space<vmem_shared>>
      %dma_start3A_26 = arith.constant 0 : i32
      %dma_start3A_27 = tpu.memref_slice %arg9[%add3A_11, %dma_start3A_26] : memref<10240x128xf32, #tpu.memory_space<vmem_shared>> -> memref<128x128xf32, #tpu.memory_space<vmem_shared>>
      tpu.enqueue_dma source(%arg8 : memref<128x128xf32, #tpu.memory_space<vmem>>) target(%dma_start3A_27 : memref<128x128xf32, #tpu.memory_space<vmem_shared>>) target_semaphore(%run_scoped3A : memref<!tpu.dma_semaphore, #tpu.memory_space<semaphore_mem>>)
      %dma_wait3A = arith.constant 0 : i32
      %dma_wait3A_28 = tpu.memref_slice %arg9[%add3A_11, %dma_wait3A] : memref<10240x128xf32, #tpu.memory_space<vmem_shared>> -> memref<128x128xf32, #tpu.memory_space<vmem_shared>>
      %dma_wait3A_29 = arith.constant 0 : i32
      %dma_wait3A_30 = tpu.memref_slice %arg9[%add3A_11, %dma_wait3A_29] : memref<10240x128xf32, #tpu.memory_space<vmem_shared>> -> memref<128x128xf32, #tpu.memory_space<vmem_shared>>
      tpu.wait_dma2 semaphore(%run_scoped3A : memref<!tpu.dma_semaphore, #tpu.memory_space<semaphore_mem>>) src(%arg8 : memref<128x128xf32, #tpu.memory_space<vmem>>) dst(%dma_wait3A_30 : memref<128x128xf32, #tpu.memory_space<vmem_shared>>)
      tpu.yield
    }) : () -> ()
    %add3A_12 = arith.constant 256 : i32
    %add3A_13 = arith.addi %mul3A_2, %add3A_12 : i32
    "tpu.region"() ({
      %run_scoped3A = tpu.sem_alloc : memref<!tpu.dma_semaphore, #tpu.memory_space<semaphore_mem>>
      %dma_start3A = arith.constant 0 : i32
      %dma_start3A_25 = tpu.memref_slice %arg9[%add3A_13, %dma_start3A] : memref<10240x128xf32, #tpu.memory_space<vmem_shared>> -> memref<128x128xf32, #tpu.memory_space<vmem_shared>>
      %dma_start3A_26 = arith.constant 0 : i32
      %dma_start3A_27 = tpu.memref_slice %arg9[%add3A_13, %dma_start3A_26] : memref<10240x128xf32, #tpu.memory_space<vmem_shared>> -> memref<128x128xf32, #tpu.memory_space<vmem_shared>>
      tpu.enqueue_dma source(%arg8 : memref<128x128xf32, #tpu.memory_space<vmem>>) target(%dma_start3A_27 : memref<128x128xf32, #tpu.memory_space<vmem_shared>>) target_semaphore(%run_scoped3A : memref<!tpu.dma_semaphore, #tpu.memory_space<semaphore_mem>>)
      %dma_wait3A = arith.constant 0 : i32
      %dma_wait3A_28 = tpu.memref_slice %arg9[%add3A_13, %dma_wait3A] : memref<10240x128xf32, #tpu.memory_space<vmem_shared>> -> memref<128x128xf32, #tpu.memory_space<vmem_shared>>
      %dma_wait3A_29 = arith.constant 0 : i32
      %dma_wait3A_30 = tpu.memref_slice %arg9[%add3A_13, %dma_wait3A_29] : memref<10240x128xf32, #tpu.memory_space<vmem_shared>> -> memref<128x128xf32, #tpu.memory_space<vmem_shared>>
      tpu.wait_dma2 semaphore(%run_scoped3A : memref<!tpu.dma_semaphore, #tpu.memory_space<semaphore_mem>>) src(%arg8 : memref<128x128xf32, #tpu.memory_space<vmem>>) dst(%dma_wait3A_30 : memref<128x128xf32, #tpu.memory_space<vmem_shared>>)
      tpu.yield
    }) : () -> ()
    %add3A_14 = arith.constant 384 : i32
    %add3A_15 = arith.addi %mul3A_2, %add3A_14 : i32
    "tpu.region"() ({
      %run_scoped3A = tpu.sem_alloc : memref<!tpu.dma_semaphore, #tpu.memory_space<semaphore_mem>>
      %dma_start3A = arith.constant 0 : i32
      %dma_start3A_25 = tpu.memref_slice %arg9[%add3A_15, %dma_start3A] : memref<10240x128xf32, #tpu.memory_space<vmem_shared>> -> memref<128x128xf32, #tpu.memory_space<vmem_shared>>
      %dma_start3A_26 = arith.constant 0 : i32
      %dma_start3A_27 = tpu.memref_slice %arg9[%add3A_15, %dma_start3A_26] : memref<10240x128xf32, #tpu.memory_space<vmem_shared>> -> memref<128x128xf32, #tpu.memory_space<vmem_shared>>
      tpu.enqueue_dma source(%arg8 : memref<128x128xf32, #tpu.memory_space<vmem>>) target(%dma_start3A_27 : memref<128x128xf32, #tpu.memory_space<vmem_shared>>) target_semaphore(%run_scoped3A : memref<!tpu.dma_semaphore, #tpu.memory_space<semaphore_mem>>)
      %dma_wait3A = arith.constant 0 : i32
      %dma_wait3A_28 = tpu.memref_slice %arg9[%add3A_15, %dma_wait3A] : memref<10240x128xf32, #tpu.memory_space<vmem_shared>> -> memref<128x128xf32, #tpu.memory_space<vmem_shared>>
      %dma_wait3A_29 = arith.constant 0 : i32
      %dma_wait3A_30 = tpu.memref_slice %arg9[%add3A_15, %dma_wait3A_29] : memref<10240x128xf32, #tpu.memory_space<vmem_shared>> -> memref<128x128xf32, #tpu.memory_space<vmem_shared>>
      tpu.wait_dma2 semaphore(%run_scoped3A : memref<!tpu.dma_semaphore, #tpu.memory_space<semaphore_mem>>) src(%arg8 : memref<128x128xf32, #tpu.memory_space<vmem>>) dst(%dma_wait3A_30 : memref<128x128xf32, #tpu.memory_space<vmem_shared>>)
      tpu.yield
    }) : () -> ()
    %add3A_16 = arith.constant 512 : i32
    %add3A_17 = arith.addi %mul3A_2, %add3A_16 : i32
    "tpu.region"() ({
      %run_scoped3A = tpu.sem_alloc : memref<!tpu.dma_semaphore, #tpu.memory_space<semaphore_mem>>
      %dma_start3A = arith.constant 0 : i32
      %dma_start3A_25 = tpu.memref_slice %arg9[%add3A_17, %dma_start3A] : memref<10240x128xf32, #tpu.memory_space<vmem_shared>> -> memref<128x128xf32, #tpu.memory_space<vmem_shared>>
      %dma_start3A_26 = arith.constant 0 : i32
      %dma_start3A_27 = tpu.memref_slice %arg9[%add3A_17, %dma_start3A_26] : memref<10240x128xf32, #tpu.memory_space<vmem_shared>> -> memref<128x128xf32, #tpu.memory_space<vmem_shared>>
      tpu.enqueue_dma source(%arg8 : memref<128x128xf32, #tpu.memory_space<vmem>>) target(%dma_start3A_27 : memref<128x128xf32, #tpu.memory_space<vmem_shared>>) target_semaphore(%run_scoped3A : memref<!tpu.dma_semaphore, #tpu.memory_space<semaphore_mem>>)
      %dma_wait3A = arith.constant 0 : i32
      %dma_wait3A_28 = tpu.memref_slice %arg9[%add3A_17, %dma_wait3A] : memref<10240x128xf32, #tpu.memory_space<vmem_shared>> -> memref<128x128xf32, #tpu.memory_space<vmem_shared>>
      %dma_wait3A_29 = arith.constant 0 : i32
      %dma_wait3A_30 = tpu.memref_slice %arg9[%add3A_17, %dma_wait3A_29] : memref<10240x128xf32, #tpu.memory_space<vmem_shared>> -> memref<128x128xf32, #tpu.memory_space<vmem_shared>>
      tpu.wait_dma2 semaphore(%run_scoped3A : memref<!tpu.dma_semaphore, #tpu.memory_space<semaphore_mem>>) src(%arg8 : memref<128x128xf32, #tpu.memory_space<vmem>>) dst(%dma_wait3A_30 : memref<128x128xf32, #tpu.memory_space<vmem_shared>>)
      tpu.yield
    }) : () -> ()
    %barrier3A = arith.constant 0 : index
    tpu.barrier barrier_id(%barrier3A)
    %scan3A_18 = arith.constant 0 : i32
    %scan3A_19 = arith.constant 0 : i32
    %scan3A_20 = arith.constant 79 : i32
    %scan3A_21 = arith.addi %scan3A_19, %scan3A_20 : i32
    %scan3A_22 = arith.constant 1 : i32
    scf.for %scan3A_25 = %scan3A_19 to %scan3A_21 step %scan3A_22  : i32 {
      %get3A = arith.index_cast %scan3A_25 : i32 to index
      %get3A_26 = arith.constant 0 : index
      %get3A_27 = tpu.vector_load %arg5[%get3A, %get3A_26] {strides = array<i32>} : memref<79x128xi32, #tpu.memory_space<vmem>>, vector<1x16xi32>,
      %get3A_28 = vector.shape_cast %get3A_27 : vector<1x16xi32> to vector<16xi32>
      %and3A = arith.constant 16383 : i32
      %and3A_29 = vector.broadcast %and3A : i32 to vector<16xi32>
      %and3A_30 = arith.andi %get3A_28, %and3A_29 : vector<16xi32>
      %swap3A = arith.constant 0 : index
      %swap3A_31 = tpu.vector_load %arg6[%swap3A] {strides = array<i32>} : memref<128xi32, #tpu.memory_space<vmem>>, vector<16xi32>,
      %swap3A_32 = vector.shape_cast %swap3A_31 : vector<16xi32> to vector<16xi32>
      %swap3A_33 = vector.shape_cast %and3A_30 : vector<16xi32> to vector<16xi32>
      tpu.vector_store %arg6[%swap3A], %swap3A_33 {strides = array<i32>} : memref<128xi32, #tpu.memory_space<vmem>>, vector<16xi32>,
      %shift_right_logical3A = arith.constant 14 : i32
      %shift_right_logical3A_34 = vector.broadcast %shift_right_logical3A : i32 to vector<16xi32>
      %shift_right_logical3A_35 = arith.shrui %get3A_28, %shift_right_logical3A_34 : vector<16xi32>
      %swap3A_36 = arith.constant 0 : index
      %swap3A_37 = tpu.vector_load %arg7[%swap3A_36] {strides = array<i32>} : memref<128xi32, #tpu.memory_space<vmem>>, vector<16xi32>,
      %swap3A_38 = vector.shape_cast %swap3A_37 : vector<16xi32> to vector<16xi32>
      %swap3A_39 = vector.shape_cast %shift_right_logical3A_35 : vector<16xi32> to vector<16xi32>
      tpu.vector_store %arg7[%swap3A_36], %swap3A_39 {strides = array<i32>} : memref<128xi32, #tpu.memory_space<vmem>>, vector<16xi32>,
      %get3A_40 = arith.index_cast %scan3A_25 : i32 to index
      %get3A_41 = arith.constant 16 : index
      %get3A_42 = tpu.vector_load %arg5[%get3A_40, %get3A_41] {strides = array<i32>} : memref<79x128xi32, #tpu.memory_space<vmem>>, vector<1x16xi32>,
      %get3A_43 = vector.shape_cast %get3A_42 : vector<1x16xi32> to vector<16xi32>
      %and3A_44 = arith.constant 16383 : i32
      %and3A_45 = vector.broadcast %and3A_44 : i32 to vector<16xi32>
      %and3A_46 = arith.andi %get3A_43, %and3A_45 : vector<16xi32>
      %swap3A_47 = arith.constant 16 : index
      %swap3A_48 = tpu.vector_load %arg6[%swap3A_47] {strides = array<i32>} : memref<128xi32, #tpu.memory_space<vmem>>, vector<16xi32>,
      %swap3A_49 = vector.shape_cast %swap3A_48 : vector<16xi32> to vector<16xi32>
      %swap3A_50 = vector.shape_cast %and3A_46 : vector<16xi32> to vector<16xi32>
      tpu.vector_store %arg6[%swap3A_47], %swap3A_50 {strides = array<i32>} : memref<128xi32, #tpu.memory_space<vmem>>, vector<16xi32>,
      %shift_right_logical3A_51 = arith.constant 14 : i32
      %shift_right_logical3A_52 = vector.broadcast %shift_right_logical3A_51 : i32 to vector<16xi32>
      %shift_right_logical3A_53 = arith.shrui %get3A_43, %shift_right_logical3A_52 : vector<16xi32>
      %swap3A_54 = arith.constant 16 : index
      %swap3A_55 = tpu.vector_load %arg7[%swap3A_54] {strides = array<i32>} : memref<128xi32, #tpu.memory_space<vmem>>, vector<16xi32>,
      %swap3A_56 = vector.shape_cast %swap3A_55 : vector<16xi32> to vector<16xi32>
      %swap3A_57 = vector.shape_cast %shift_right_logical3A_53 : vector<16xi32> to vector<16xi32>
      tpu.vector_store %arg7[%swap3A_54], %swap3A_57 {strides = array<i32>} : memref<128xi32, #tpu.memory_space<vmem>>, vector<16xi32>,
      %get3A_58 = arith.index_cast %scan3A_25 : i32 to index
      %get3A_59 = arith.constant 32 : index
      %get3A_60 = tpu.vector_load %arg5[%get3A_58, %get3A_59] {strides = array<i32>} : memref<79x128xi32, #tpu.memory_space<vmem>>, vector<1x16xi32>,
      %get3A_61 = vector.shape_cast %get3A_60 : vector<1x16xi32> to vector<16xi32>
      %and3A_62 = arith.constant 16383 : i32
      %and3A_63 = vector.broadcast %and3A_62 : i32 to vector<16xi32>
      %and3A_64 = arith.andi %get3A_61, %and3A_63 : vector<16xi32>
      %swap3A_65 = arith.constant 32 : index
      %swap3A_66 = tpu.vector_load %arg6[%swap3A_65] {strides = array<i32>} : memref<128xi32, #tpu.memory_space<vmem>>, vector<16xi32>,
      %swap3A_67 = vector.shape_cast %swap3A_66 : vector<16xi32> to vector<16xi32>
      %swap3A_68 = vector.shape_cast %and3A_64 : vector<16xi32> to vector<16xi32>
      tpu.vector_store %arg6[%swap3A_65], %swap3A_68 {strides = array<i32>} : memref<128xi32, #tpu.memory_space<vmem>>, vector<16xi32>,
      %shift_right_logical3A_69 = arith.constant 14 : i32
      %shift_right_logical3A_70 = vector.broadcast %shift_right_logical3A_69 : i32 to vector<16xi32>
      %shift_right_logical3A_71 = arith.shrui %get3A_61, %shift_right_logical3A_70 : vector<16xi32>
      %swap3A_72 = arith.constant 32 : index
      %swap3A_73 = tpu.vector_load %arg7[%swap3A_72] {strides = array<i32>} : memref<128xi32, #tpu.memory_space<vmem>>, vector<16xi32>,
      %swap3A_74 = vector.shape_cast %swap3A_73 : vector<16xi32> to vector<16xi32>
      %swap3A_75 = vector.shape_cast %shift_right_logical3A_71 : vector<16xi32> to vector<16xi32>
      tpu.vector_store %arg7[%swap3A_72], %swap3A_75 {strides = array<i32>} : memref<128xi32, #tpu.memory_space<vmem>>, vector<16xi32>,
      %get3A_76 = arith.index_cast %scan3A_25 : i32 to index
      %get3A_77 = arith.constant 48 : index
      %get3A_78 = tpu.vector_load %arg5[%get3A_76, %get3A_77] {strides = array<i32>} : memref<79x128xi32, #tpu.memory_space<vmem>>, vector<1x16xi32>,
      %get3A_79 = vector.shape_cast %get3A_78 : vector<1x16xi32> to vector<16xi32>
      %and3A_80 = arith.constant 16383 : i32
      %and3A_81 = vector.broadcast %and3A_80 : i32 to vector<16xi32>
      %and3A_82 = arith.andi %get3A_79, %and3A_81 : vector<16xi32>
      %swap3A_83 = arith.constant 48 : index
      %swap3A_84 = tpu.vector_load %arg6[%swap3A_83] {strides = array<i32>} : memref<128xi32, #tpu.memory_space<vmem>>, vector<16xi32>,
      %swap3A_85 = vector.shape_cast %swap3A_84 : vector<16xi32> to vector<16xi32>
      %swap3A_86 = vector.shape_cast %and3A_82 : vector<16xi32> to vector<16xi32>
      tpu.vector_store %arg6[%swap3A_83], %swap3A_86 {strides = array<i32>} : memref<128xi32, #tpu.memory_space<vmem>>, vector<16xi32>,
      %shift_right_logical3A_87 = arith.constant 14 : i32
      %shift_right_logical3A_88 = vector.broadcast %shift_right_logical3A_87 : i32 to vector<16xi32>
      %shift_right_logical3A_89 = arith.shrui %get3A_79, %shift_right_logical3A_88 : vector<16xi32>
      %swap3A_90 = arith.constant 48 : index
      %swap3A_91 = tpu.vector_load %arg7[%swap3A_90] {strides = array<i32>} : memref<128xi32, #tpu.memory_space<vmem>>, vector<16xi32>,
      %swap3A_92 = vector.shape_cast %swap3A_91 : vector<16xi32> to vector<16xi32>
      %swap3A_93 = vector.shape_cast %shift_right_logical3A_89 : vector<16xi32> to vector<16xi32>
      tpu.vector_store %arg7[%swap3A_90], %swap3A_93 {strides = array<i32>} : memref<128xi32, #tpu.memory_space<vmem>>, vector<16xi32>,
      %get3A_94 = arith.index_cast %scan3A_25 : i32 to index
      %get3A_95 = arith.constant 64 : index
      %get3A_96 = tpu.vector_load %arg5[%get3A_94, %get3A_95] {strides = array<i32>} : memref<79x128xi32, #tpu.memory_space<vmem>>, vector<1x16xi32>,
      %get3A_97 = vector.shape_cast %get3A_96 : vector<1x16xi32> to vector<16xi32>
      %and3A_98 = arith.constant 16383 : i32
      %and3A_99 = vector.broadcast %and3A_98 : i32 to vector<16xi32>
      %and3A_100 = arith.andi %get3A_97, %and3A_99 : vector<16xi32>
      %swap3A_101 = arith.constant 64 : index
      %swap3A_102 = tpu.vector_load %arg6[%swap3A_101] {strides = array<i32>} : memref<128xi32, #tpu.memory_space<vmem>>, vector<16xi32>,
      %swap3A_103 = vector.shape_cast %swap3A_102 : vector<16xi32> to vector<16xi32>
      %swap3A_104 = vector.shape_cast %and3A_100 : vector<16xi32> to vector<16xi32>
      tpu.vector_store %arg6[%swap3A_101], %swap3A_104 {strides = array<i32>} : memref<128xi32, #tpu.memory_space<vmem>>, vector<16xi32>,
      %shift_right_logical3A_105 = arith.constant 14 : i32
      %shift_right_logical3A_106 = vector.broadcast %shift_right_logical3A_105 : i32 to vector<16xi32>
      %shift_right_logical3A_107 = arith.shrui %get3A_97, %shift_right_logical3A_106 : vector<16xi32>
      %swap3A_108 = arith.constant 64 : index
      %swap3A_109 = tpu.vector_load %arg7[%swap3A_108] {strides = array<i32>} : memref<128xi32, #tpu.memory_space<vmem>>, vector<16xi32>,
      %swap3A_110 = vector.shape_cast %swap3A_109 : vector<16xi32> to vector<16xi32>
      %swap3A_111 = vector.shape_cast %shift_right_logical3A_107 : vector<16xi32> to vector<16xi32>
      tpu.vector_store %arg7[%swap3A_108], %swap3A_111 {strides = array<i32>} : memref<128xi32, #tpu.memory_space<vmem>>, vector<16xi32>,
      %get3A_112 = arith.index_cast %scan3A_25 : i32 to index
      %get3A_113 = arith.constant 80 : index
      %get3A_114 = tpu.vector_load %arg5[%get3A_112, %get3A_113] {strides = array<i32>} : memref<79x128xi32, #tpu.memory_space<vmem>>, vector<1x16xi32>,
      %get3A_115 = vector.shape_cast %get3A_114 : vector<1x16xi32> to vector<16xi32>
      %and3A_116 = arith.constant 16383 : i32
      %and3A_117 = vector.broadcast %and3A_116 : i32 to vector<16xi32>
      %and3A_118 = arith.andi %get3A_115, %and3A_117 : vector<16xi32>
      %swap3A_119 = arith.constant 80 : index
      %swap3A_120 = tpu.vector_load %arg6[%swap3A_119] {strides = array<i32>} : memref<128xi32, #tpu.memory_space<vmem>>, vector<16xi32>,
      %swap3A_121 = vector.shape_cast %swap3A_120 : vector<16xi32> to vector<16xi32>
      %swap3A_122 = vector.shape_cast %and3A_118 : vector<16xi32> to vector<16xi32>
      tpu.vector_store %arg6[%swap3A_119], %swap3A_122 {strides = array<i32>} : memref<128xi32, #tpu.memory_space<vmem>>, vector<16xi32>,
      %shift_right_logical3A_123 = arith.constant 14 : i32
      %shift_right_logical3A_124 = vector.broadcast %shift_right_logical3A_123 : i32 to vector<16xi32>
      %shift_right_logical3A_125 = arith.shrui %get3A_115, %shift_right_logical3A_124 : vector<16xi32>
      %swap3A_126 = arith.constant 80 : index
      %swap3A_127 = tpu.vector_load %arg7[%swap3A_126] {strides = array<i32>} : memref<128xi32, #tpu.memory_space<vmem>>, vector<16xi32>,
      %swap3A_128 = vector.shape_cast %swap3A_127 : vector<16xi32> to vector<16xi32>
      %swap3A_129 = vector.shape_cast %shift_right_logical3A_125 : vector<16xi32> to vector<16xi32>
      tpu.vector_store %arg7[%swap3A_126], %swap3A_129 {strides = array<i32>} : memref<128xi32, #tpu.memory_space<vmem>>, vector<16xi32>,
      %get3A_130 = arith.index_cast %scan3A_25 : i32 to index
      %get3A_131 = arith.constant 96 : index
      %get3A_132 = tpu.vector_load %arg5[%get3A_130, %get3A_131] {strides = array<i32>} : memref<79x128xi32, #tpu.memory_space<vmem>>, vector<1x16xi32>,
      %get3A_133 = vector.shape_cast %get3A_132 : vector<1x16xi32> to vector<16xi32>
      %and3A_134 = arith.constant 16383 : i32
      %and3A_135 = vector.broadcast %and3A_134 : i32 to vector<16xi32>
      %and3A_136 = arith.andi %get3A_133, %and3A_135 : vector<16xi32>
      %swap3A_137 = arith.constant 96 : index
      %swap3A_138 = tpu.vector_load %arg6[%swap3A_137] {strides = array<i32>} : memref<128xi32, #tpu.memory_space<vmem>>, vector<16xi32>,
      %swap3A_139 = vector.shape_cast %swap3A_138 : vector<16xi32> to vector<16xi32>
      %swap3A_140 = vector.shape_cast %and3A_136 : vector<16xi32> to vector<16xi32>
      tpu.vector_store %arg6[%swap3A_137], %swap3A_140 {strides = array<i32>} : memref<128xi32, #tpu.memory_space<vmem>>, vector<16xi32>,
      %shift_right_logical3A_141 = arith.constant 14 : i32
      %shift_right_logical3A_142 = vector.broadcast %shift_right_logical3A_141 : i32 to vector<16xi32>
      %shift_right_logical3A_143 = arith.shrui %get3A_133, %shift_right_logical3A_142 : vector<16xi32>
      %swap3A_144 = arith.constant 96 : index
      %swap3A_145 = tpu.vector_load %arg7[%swap3A_144] {strides = array<i32>} : memref<128xi32, #tpu.memory_space<vmem>>, vector<16xi32>,
      %swap3A_146 = vector.shape_cast %swap3A_145 : vector<16xi32> to vector<16xi32>
      %swap3A_147 = vector.shape_cast %shift_right_logical3A_143 : vector<16xi32> to vector<16xi32>
      tpu.vector_store %arg7[%swap3A_144], %swap3A_147 {strides = array<i32>} : memref<128xi32, #tpu.memory_space<vmem>>, vector<16xi32>,
      %get3A_148 = arith.index_cast %scan3A_25 : i32 to index
      %get3A_149 = arith.constant 112 : index
      %get3A_150 = tpu.vector_load %arg5[%get3A_148, %get3A_149] {strides = array<i32>} : memref<79x128xi32, #tpu.memory_space<vmem>>, vector<1x16xi32>,
      %get3A_151 = vector.shape_cast %get3A_150 : vector<1x16xi32> to vector<16xi32>
      %and3A_152 = arith.constant 16383 : i32
      %and3A_153 = vector.broadcast %and3A_152 : i32 to vector<16xi32>
      %and3A_154 = arith.andi %get3A_151, %and3A_153 : vector<16xi32>
      %swap3A_155 = arith.constant 112 : index
      %swap3A_156 = tpu.vector_load %arg6[%swap3A_155] {strides = array<i32>} : memref<128xi32, #tpu.memory_space<vmem>>, vector<16xi32>,
      %swap3A_157 = vector.shape_cast %swap3A_156 : vector<16xi32> to vector<16xi32>
      %swap3A_158 = vector.shape_cast %and3A_154 : vector<16xi32> to vector<16xi32>
      tpu.vector_store %arg6[%swap3A_155], %swap3A_158 {strides = array<i32>} : memref<128xi32, #tpu.memory_space<vmem>>, vector<16xi32>,
      %shift_right_logical3A_159 = arith.constant 14 : i32
      %shift_right_logical3A_160 = vector.broadcast %shift_right_logical3A_159 : i32 to vector<16xi32>
      %shift_right_logical3A_161 = arith.shrui %get3A_151, %shift_right_logical3A_160 : vector<16xi32>
      %swap3A_162 = arith.constant 112 : index
      %swap3A_163 = tpu.vector_load %arg7[%swap3A_162] {strides = array<i32>} : memref<128xi32, #tpu.memory_space<vmem>>, vector<16xi32>,
      %swap3A_164 = vector.shape_cast %swap3A_163 : vector<16xi32> to vector<16xi32>
      %swap3A_165 = vector.shape_cast %shift_right_logical3A_161 : vector<16xi32> to vector<16xi32>
      tpu.vector_store %arg7[%swap3A_162], %swap3A_165 {strides = array<i32>} : memref<128xi32, #tpu.memory_space<vmem>>, vector<16xi32>,
      "tpu.region"() ({
        %run_scoped3A = tpu.sem_alloc : memref<!tpu.dma_semaphore, #tpu.memory_space<semaphore_mem>>
        %dma_start3A = arith.constant 0 : i32
        %dma_start3A_166 = arith.constant 0 : i32
        %dma_start3A_167 = tpu.memref_slice %arg2[%dma_start3A, %dma_start3A_166] : memref<10240x128xf32, #tpu.memory_space<hbm>> -> memref<10240x128xf32, #tpu.memory_space<hbm>>
        tpu.enqueue_indirect_dma source(%dma_start3A_167 : memref<10240x128xf32, #tpu.memory_space<hbm>>) target(%arg8 : memref<128x128xf32, #tpu.memory_space<vmem>>) offsets(%arg6 : memref<128xi32, #tpu.memory_space<vmem>>) semaphore(%run_scoped3A : memref<!tpu.dma_semaphore, #tpu.memory_space<semaphore_mem>>)
        %dma_wait3A = arith.constant 0 : i32
        %dma_wait3A_168 = arith.constant 0 : i32
        %dma_wait3A_169 = tpu.memref_slice %arg2[%dma_wait3A, %dma_wait3A_168] : memref<10240x128xf32, #tpu.memory_space<hbm>> -> memref<10240x128xf32, #tpu.memory_space<hbm>>
        tpu.wait_indirect_dma semaphore(%run_scoped3A : memref<!tpu.dma_semaphore, #tpu.memory_space<semaphore_mem>>) src(%dma_wait3A_169 : memref<10240x128xf32, #tpu.memory_space<hbm>>) dst(%arg8 : memref<128x128xf32, #tpu.memory_space<vmem>>)
        tpu.yield
      }) : () -> ()
      "tpu.region"() ({
        %run_scoped3A = tpu.sem_alloc : memref<!tpu.dma_semaphore, #tpu.memory_space<semaphore_mem>>
        %dma_start3A = arith.constant 0 : i32
        %dma_start3A_166 = arith.constant 0 : i32
        %dma_start3A_167 = tpu.memref_slice %arg9[%dma_start3A, %dma_start3A_166] : memref<10240x128xf32, #tpu.memory_space<vmem_shared>> -> memref<10240x128xf32, #tpu.memory_space<vmem_shared>>
        tpu.enqueue_indirect_dma source(%arg8 : memref<128x128xf32, #tpu.memory_space<vmem>>) target(%dma_start3A_167 : memref<10240x128xf32, #tpu.memory_space<vmem_shared>>) offsets(%arg7 : memref<128xi32, #tpu.memory_space<vmem>>) semaphore(%run_scoped3A : memref<!tpu.dma_semaphore, #tpu.memory_space<semaphore_mem>>) {add = true}
        %dma_wait3A = arith.constant 0 : i32
        %dma_wait3A_168 = arith.constant 0 : i32
        %dma_wait3A_169 = tpu.memref_slice %arg9[%dma_wait3A, %dma_wait3A_168] : memref<10240x128xf32, #tpu.memory_space<vmem_shared>> -> memref<10240x128xf32, #tpu.memory_space<vmem_shared>>
        tpu.wait_indirect_dma semaphore(%run_scoped3A : memref<!tpu.dma_semaphore, #tpu.memory_space<semaphore_mem>>) src(%arg8 : memref<128x128xf32, #tpu.memory_space<vmem>>) dst(%dma_wait3A_169 : memref<10240x128xf32, #tpu.memory_space<vmem_shared>>)
        tpu.yield
      }) : () -> ()
    }
    %scan3A_23 = arith.constant 79 : i32
    %barrier3A_24 = arith.constant 0 : index
    tpu.barrier barrier_id(%barrier3A_24)
    "tpu.region"() ({
      %run_scoped3A = tpu.sem_alloc : memref<!tpu.dma_semaphore, #tpu.memory_space<semaphore_mem>>
      %dma_start3A = arith.constant 0 : i32
      %dma_start3A_25 = tpu.memref_slice %arg4[%arg0, %mul3A_2, %dma_start3A] : memref<2x10240x128xf32, #tpu.memory_space<hbm>> -> memref<1x640x128xf32, #tpu.memory_space<hbm>>
      %dma_start3A_26 = tpu.memref_squeeze %dma_start3A_25 : memref<1x640x128xf32, #tpu.memory_space<hbm>> -> memref<640x128xf32, #tpu.memory_space<hbm>>
      %dma_start3A_27 = arith.constant 0 : i32
      %dma_start3A_28 = tpu.memref_slice %arg9[%mul3A_2, %dma_start3A_27] : memref<10240x128xf32, #tpu.memory_space<vmem_shared>> -> memref<640x128xf32, #tpu.memory_space<vmem_shared>>
      tpu.enqueue_dma source(%dma_start3A_28 : memref<640x128xf32, #tpu.memory_space<vmem_shared>>) target(%dma_start3A_26 : memref<640x128xf32, #tpu.memory_space<hbm>>) target_semaphore(%run_scoped3A : memref<!tpu.dma_semaphore, #tpu.memory_space<semaphore_mem>>)
      %dma_wait3A = arith.constant 0 : i32
      %dma_wait3A_29 = tpu.memref_slice %arg4[%arg0, %mul3A_2, %dma_wait3A] : memref<2x10240x128xf32, #tpu.memory_space<hbm>> -> memref<1x640x128xf32, #tpu.memory_space<hbm>>
      %dma_wait3A_30 = tpu.memref_squeeze %dma_wait3A_29 : memref<1x640x128xf32, #tpu.memory_space<hbm>> -> memref<640x128xf32, #tpu.memory_space<hbm>>
      %dma_wait3A_31 = arith.constant 0 : i32
      %dma_wait3A_32 = tpu.memref_slice %arg9[%mul3A_2, %dma_wait3A_31] : memref<10240x128xf32, #tpu.memory_space<vmem_shared>> -> memref<640x128xf32, #tpu.memory_space<vmem_shared>>
      tpu.wait_dma2 semaphore(%run_scoped3A : memref<!tpu.dma_semaphore, #tpu.memory_space<semaphore_mem>>) src(%dma_wait3A_32 : memref<640x128xf32, #tpu.memory_space<vmem_shared>>) dst(%dma_wait3A_30 : memref<640x128xf32, #tpu.memory_space<hbm>>)
      tpu.yield
    }) : () -> ()
    return
  }
}

module attributes {stable_mosaic.version = 14 : i64} {
  func.func @_node_kernel(%arg0: i32, %arg1: memref<1280x128xf32, #tpu.memory_space<vmem>>, %arg2: memref<1x128xf32, #tpu.memory_space<vmem>>, %arg3: memref<128x128xf32, #tpu.memory_space<vmem>>, %arg4: memref<128x128xf32, #tpu.memory_space<vmem>>, %arg5: memref<1x128xf32, #tpu.memory_space<vmem>>, %arg6: memref<1280x128xf32, #tpu.memory_space<vmem>>) attributes {dimension_semantics = [#tpu.dimension_semantics<arbitrary>], iteration_bounds = array<i64: 8>, scalar_prefetch = 0 : i64, scratch_operands = 0 : i64, tpu.core_type = #tpu.core_type<tc>, window_params = [{transform_indices = @transform_0, window_bounds = array<i64: 1280, 128>}, {pipeline_mode = #tpu.pipeline_mode<synchronous>, transform_indices = @transform_1, window_bounds = array<i64: 1, 128>}, {pipeline_mode = #tpu.pipeline_mode<synchronous>, transform_indices = @transform_2, window_bounds = array<i64: 128, 128>}, {pipeline_mode = #tpu.pipeline_mode<synchronous>, transform_indices = @transform_3, window_bounds = array<i64: 128, 128>}, {pipeline_mode = #tpu.pipeline_mode<synchronous>, transform_indices = @transform_4, window_bounds = array<i64: 1, 128>}, {transform_indices = @transform_5, window_bounds = array<i64: 1280, 128>}]} {
    %get3A = arith.constant 0 : index
    %get3A_0 = arith.constant 0 : index
    %get3A_1 = vector.load %arg1[%get3A, %get3A_0] : memref<1280x128xf32, #tpu.memory_space<vmem>>, vector<1280x128xf32>
    %get3A_2 = arith.constant 0 : index
    %get3A_3 = arith.constant 0 : index
    %get3A_4 = vector.load %arg2[%get3A_2, %get3A_3] : memref<1x128xf32, #tpu.memory_space<vmem>>, vector<1x128xf32>
    %add3A = vector.broadcast %get3A_4 : vector<1x128xf32> to vector<1280x128xf32>
    %add3A_5 = arith.addf %get3A_1, %add3A : vector<1280x128xf32>
    %get3A_6 = arith.constant 0 : index
    %get3A_7 = arith.constant 0 : index
    %get3A_8 = vector.load %arg3[%get3A_6, %get3A_7] : memref<128x128xf32, #tpu.memory_space<vmem>>, vector<128x128xf32>
    %dot_general3A = arith.constant dense<0.000000e+00> : vector<1280x128xf32>
    %dot_general3A_9 = tpu.matmul %add3A_5, %get3A_8, %dot_general3A {dimension_numbers = #tpu.dot_dimension_numbers<[1], [1], [0], [0], [0, 0, 1, 0], [], []>, transpose_lhs_hint = false} : vector<1280x128xf32>, vector<128x128xf32>, vector<1280x128xf32> -> vector<1280x128xf32>
    %get3A_10 = arith.constant 0 : index
    %get3A_11 = arith.constant 0 : index
    %get3A_12 = vector.load %arg4[%get3A_10, %get3A_11] : memref<128x128xf32, #tpu.memory_space<vmem>>, vector<128x128xf32>
    %dot_general3A_13 = arith.constant dense<0.000000e+00> : vector<1280x128xf32>
    %dot_general3A_14 = tpu.matmul %dot_general3A_9, %get3A_12, %dot_general3A_13 {dimension_numbers = #tpu.dot_dimension_numbers<[1], [1], [0], [0], [0, 0, 1, 0], [], []>, transpose_lhs_hint = false} : vector<1280x128xf32>, vector<128x128xf32>, vector<1280x128xf32> -> vector<1280x128xf32>
    %get3A_15 = arith.constant 0 : index
    %get3A_16 = arith.constant 0 : index
    %get3A_17 = vector.load %arg5[%get3A_15, %get3A_16] : memref<1x128xf32, #tpu.memory_space<vmem>>, vector<1x128xf32>
    %add3A_18 = vector.broadcast %get3A_17 : vector<1x128xf32> to vector<1280x128xf32>
    %add3A_19 = arith.addf %dot_general3A_14, %add3A_18 : vector<1280x128xf32>
    %swap3A = arith.constant 0 : index
    %swap3A_20 = arith.constant 0 : index
    %swap3A_21 = vector.load %arg6[%swap3A, %swap3A_20] : memref<1280x128xf32, #tpu.memory_space<vmem>>, vector<1280x128xf32>
    tpu.vector_store %arg6[%swap3A, %swap3A_20], %add3A_19 {strides = array<i32>} : memref<1280x128xf32, #tpu.memory_space<vmem>>, vector<1280x128xf32>,
    return
  }
  func.func @transform_0(%arg0: i32) -> (i32, i32) {
    %c0_i32 = arith.constant 0 : i32
    %c0_i32_0 = arith.constant 0 : i32
    return %arg0, %c0_i32 : i32, i32
  }
  func.func @transform_1(%arg0: i32) -> (i32, i32) {
    %c0_i32 = arith.constant 0 : i32
    %c0_i32_0 = arith.constant 0 : i32
    %c0_i32_1 = arith.constant 0 : i32
    return %c0_i32, %c0_i32_0 : i32, i32
  }
  func.func @transform_2(%arg0: i32) -> (i32, i32) {
    %c0_i32 = arith.constant 0 : i32
    %c0_i32_0 = arith.constant 0 : i32
    %c0_i32_1 = arith.constant 0 : i32
    return %c0_i32, %c0_i32_0 : i32, i32
  }
  func.func @transform_3(%arg0: i32) -> (i32, i32) {
    %c0_i32 = arith.constant 0 : i32
    %c0_i32_0 = arith.constant 0 : i32
    %c0_i32_1 = arith.constant 0 : i32
    return %c0_i32, %c0_i32_0 : i32, i32
  }
  func.func @transform_4(%arg0: i32) -> (i32, i32) {
    %c0_i32 = arith.constant 0 : i32
    %c0_i32_0 = arith.constant 0 : i32
    %c0_i32_1 = arith.constant 0 : i32
    return %c0_i32, %c0_i32_0 : i32, i32
  }
  func.func @transform_5(%arg0: i32) -> (i32, i32) {
    %c0_i32 = arith.constant 0 : i32
    %c0_i32_0 = arith.constant 0 : i32
    return %arg0, %c0_i32 : i32, i32
  }
}

module attributes {stable_mosaic.version = 14 : i64} {
  func.func @_sum2_kernel(%arg0: i32, %arg1: memref<2x1280x128xf32, #tpu.memory_space<vmem>>, %arg2: memref<1280x128xf32, #tpu.memory_space<vmem>>) attributes {dimension_semantics = [#tpu.dimension_semantics<arbitrary>], iteration_bounds = array<i64: 8>, scalar_prefetch = 0 : i64, scratch_operands = 0 : i64, tpu.core_type = #tpu.core_type<tc>, window_params = [{transform_indices = @transform_0, window_bounds = array<i64: 2, 1280, 128>}, {transform_indices = @transform_1, window_bounds = array<i64: 1280, 128>}]} {
    %get3A = arith.constant 0 : index
    %get3A_0 = arith.constant 0 : index
    %get3A_1 = arith.constant 0 : index
    %get3A_2 = vector.load %arg1[%get3A, %get3A_0, %get3A_1] : memref<2x1280x128xf32, #tpu.memory_space<vmem>>, vector<1x1280x128xf32>
    %get3A_3 = vector.shape_cast %get3A_2 : vector<1x1280x128xf32> to vector<1280x128xf32>
    %get3A_4 = arith.constant 1 : index
    %get3A_5 = arith.constant 0 : index
    %get3A_6 = arith.constant 0 : index
    %get3A_7 = vector.load %arg1[%get3A_4, %get3A_5, %get3A_6] : memref<2x1280x128xf32, #tpu.memory_space<vmem>>, vector<1x1280x128xf32>
    %get3A_8 = vector.shape_cast %get3A_7 : vector<1x1280x128xf32> to vector<1280x128xf32>
    %add3A = arith.addf %get3A_3, %get3A_8 : vector<1280x128xf32>
    %swap3A = arith.constant 0 : index
    %swap3A_9 = arith.constant 0 : index
    %swap3A_10 = vector.load %arg2[%swap3A, %swap3A_9] : memref<1280x128xf32, #tpu.memory_space<vmem>>, vector<1280x128xf32>
    tpu.vector_store %arg2[%swap3A, %swap3A_9], %add3A {strides = array<i32>} : memref<1280x128xf32, #tpu.memory_space<vmem>>, vector<1280x128xf32>,
    return
  }
  func.func @transform_0(%arg0: i32) -> (i32, i32, i32) {
    %c0_i32 = arith.constant 0 : i32
    %c0_i32_0 = arith.constant 0 : i32
    %c0_i32_1 = arith.constant 0 : i32
    return %c0_i32, %arg0, %c0_i32_0 : i32, i32, i32
  }
  func.func @transform_1(%arg0: i32) -> (i32, i32) {
    %c0_i32 = arith.constant 0 : i32
    %c0_i32_0 = arith.constant 0 : i32
    return %arg0, %c0_i32 : i32, i32
  }
}

</mosaic_0001>

<sc_bundles>
// kernel: kernel.5.cloned.1.call-start
scs
__scs_entry_jumppad:
0x0: {  	(pc) =	sbr.rel $0x88, $3  }
0x1: {  	(tag) =	ssettag $0x0;
	lr =	simm.s32 $0x1  }
0x2: {  	[smem:$0x3F9B] =	sst lr;
	_ =	strace $0xD0000000  }
0x3: {  	_ = 	snop  }
0x4: {  	_ = 	snop  }
0x5: {  	_ = 	snop  }
0x6: {  	_ = 	snop  }
0x7: {  	_ = 	snop  }
__scs_overlays_trampoline_lowered:
0x8: {  	[smem:$0x3FAA] =	sst s0  }
0x9: {  	[smem:$0x3FAB] =	sst s1  }
0xa: {  	[smem:$0x3FAC] =	sst s2  }
0xb: {  	[smem:$0x3FAD] =	sst s3  }
0xc: {  	[smem:$0x3FAE] =	sst s4  }
0xd: {  	[smem:$0x3FAF] =	sst s5  }
0xe: {  	[smem:$0x3FB0] =	sst s6  }
0xf: {  	[smem:$0x3FB1] =	sst s7  }
0x10: {  	[smem:$0x3FB2] =	sst s8  }
0x11: {  	[smem:$0x3FB3] =	sst s9;
	s0 =	simm.s32 @!p0 $0x0  }
0x12: {  	s1 =	sld [smem:$0x3F99];
	s0 =	simm.s32 @p0 $0x1  }
0x13: {  	[smem:$0x3FB4] =	sst s0;
	s0 =	simm.s32 @!p1 $0x0  }
0x14: {  	s2 =	sld [smem:$0x3F98];
	s0 =	simm.s32 @p1 $0x1  }
0x15: {  	[smem:$0x3FB5] =	sst s0;
	s0 =	simm.s32 @!p2 $0x0  }
0x16: {  	s3 =	sld [smem:$0x3FDB];
	s0 =	simm.s32 @p2 $0x1  }
0x17: {  	s4 =	simm.s32 $0x1BF5;
	[smem:$0x3FB7] =	sst s0  }
0x18: {  	s0 =	sld [smem:$0x3F9A];
	_ =	swait.ge [sflag:s4], $0x0  }
0x19: {  	s7 =	sld [smem:$0x3F9B]  }
0x1a: {  	s8 =	sadd.s32 $0xFFFFE003, lr  }
0x1b: {  	s9 =	sadd.s32 $0xFFFFFEF7, lr;
	s5 =	simm.s32 $0xFFFFFFFF;
	p2 =	slt.u32 s8, $0xFFFFF086  }
0x1c: {  	p1 =	slt.u32 s9, $0xF7A;
	s5 =	simm.s32 @!p2 $0x0  }
0x1d: {  	s5 =	simm.s32 @p1 $0x1;
	p0 =	seq.s32 s7, s2  }
0x1e: {  	s7 =	smul.u32 @!p0 $0xF7A, s2;
	p2 =	seq.s32 @!p0 s5, $0x0  }
0x1f: {  	s9 =	smul.u32 $0xF7A, s1;
	s8 =	simm.s32 @!p0 $0x1BF5;
	p2 =	por !p2, p0  }
0x20: {  	[sflag:s8] =	ssyncset.s32 @!p0 $0xFFFFF086;
	s6 =	sadd.s32 @!p0 s3, s7;
	s7 =	simm.s32 @!p0 $0x108  }
0x21: {  	s3 =	sadd.s32 s3, s9;
	s6 =	sadd.s32 @!p0 $0x88, s6;
	s7 =	simm.s32 @p2 $0x1082  }
0x22: {  	[simem:s7], [sflag:s8] =	dma.local @!p0 [hbm:s6], $0xF7A  }
0x23: {  	s9 =	sor.u32 $0xD0000000, s2;
	s6 =	simm.s32 $0x108;
	_ =	swait.ge @!p0 [sflag:s8], $0x0  }
0x24: {  	s3 =	sadd.s32 $0x88, s3;
	s6 =	simm.s32 @!p1 $0x1082;
	[sflag:s4] =	ssyncset.s32 $0xFFFFF086  }
0x25: {  	[simem:s6], [sflag:s4] =	dma.local [hbm:s3], $0xF7A  }
0x26: {  	[smem:$0x3F9B] =	sst s1;
	(tag) =	ssettag s2;
	_ =	strace s9  }
0x27: {  	s1 =	sld [smem:$0x3FAB]  }
0x28: {  	s2 =	sld [smem:$0x3FAC]  }
0x29: {  	s4 =	sld [smem:$0x3FAE]  }
0x2a: {  	p0 =	seq.s32 s5, $0x0;
	s5 =	sld [smem:$0x3FAF]  }
0x2b: {  	s6 =	sld [smem:$0x3FB0]  }
0x2c: {  	s7 =	sld [smem:$0x3FB1]  }
0x2d: {  	s3 =	simm.s32 $0x108;
	s8 =	sld [smem:$0x3FB2]  }
0x2e: {  	s3 =	simm.s32 @!p0 $0x1082;
	s9 =	sld [smem:$0x3FB3]  }
0x2f: {  	lr =	sadd.s32 s0, s3;
	s0 =	sld [smem:$0x3FAA]  }
0x30: {  	s3 =	sld [smem:$0x3FAD]  }
0x31: {  	[smem:$0x3FB6] =	sst s10  }
0x32: {  	s10 =	sld [smem:$0x3FB4];
	_ =	sdelay $0x3  }
0x33: {  	p0 =	seq.s32 s10, $0x1;
	s10 =	sld [smem:$0x3FB6];
	_ =	sdelay $0x3  }
0x34: {  	[smem:$0x3FB6] =	sst s10  }
0x35: {  	s10 =	sld [smem:$0x3FB5];
	_ =	sdelay $0x3  }
0x36: {  	p1 =	seq.s32 s10, $0x1;
	s10 =	sld [smem:$0x3FB6];
	_ =	sdelay $0x3  }
0x37: {  	[smem:$0x3FB6] =	sst s10  }
0x38: {  	s10 =	sld [smem:$0x3FB7]  }
0x39: {  	_ = 	snop;
	(pc) =	sbr.ind lr, $3  }
0x3a: {  	_ = 	snop  }
0x3b: {  	_ = 	snop  }
0x3c: {  	p2 =	seq.s32 s10, $0x1;
	s10 =	sld [smem:$0x3FB6]  }
0x3d: {  	_ =	shalt  }
0x3e: {  	_ =	shalt  }
0x3f: {  	_ =	shalt  }
0x40: {  	_ =	shalt  }
0x41: {  	_ =	shalt  }
0x42: {  	_ =	shalt  }
0x43: {  	_ =	shalt  }
0x44: {  	_ =	shalt  }
0x45: {  	_ =	shalt  }
0x46: {  	_ =	shalt  }
0x47: {  	_ =	shalt  }
0x48: {  	_ =	shalt  }
0x49: {  	_ =	shalt  }
0x4a: {  	_ =	shalt  }
0x4b: {  	_ =	shalt  }
0x4c: {  	_ =	shalt  }
0x4d: {  	_ =	shalt  }
0x4e: {  	_ =	shalt  }
0x4f: {  	_ =	shalt  }
0x50: {  	_ =	shalt  }
0x51: {  	_ =	shalt  }
0x52: {  	_ =	shalt  }
0x53: {  	_ =	shalt  }
0x54: {  	_ =	shalt  }
0x55: {  	_ =	shalt  }
0x56: {  	_ =	shalt  }
0x57: {  	_ =	shalt  }
0x58: {  	_ =	shalt  }
0x59: {  	_ =	shalt  }
0x5a: {  	_ =	shalt  }
0x5b: {  	_ =	shalt  }
0x5c: {  	_ =	shalt  }
0x5d: {  	_ =	shalt  }
0x5e: {  	_ =	shalt  }
0x5f: {  	_ =	shalt  }
0x60: {  	_ =	shalt  }
0x61: {  	_ =	shalt  }
0x62: {  	_ =	shalt  }
0x63: {  	_ =	shalt  }
0x64: {  	_ =	shalt  }
0x65: {  	_ =	shalt  }
0x66: {  	_ =	shalt  }
0x67: {  	_ =	shalt  }
0x68: {  	_ =	shalt  }
0x69: {  	_ =	shalt  }
0x6a: {  	_ =	shalt  }
0x6b: {  	_ =	shalt  }
0x6c: {  	_ =	shalt  }
0x6d: {  	_ =	shalt  }
0x6e: {  	_ =	shalt  }
0x6f: {  	_ =	shalt  }
0x70: {  	_ =	shalt  }
0x71: {  	_ =	shalt  }
0x72: {  	_ =	shalt  }
0x73: {  	_ =	shalt  }
0x74: {  	_ =	shalt  }
0x75: {  	_ =	shalt  }
0x76: {  	_ =	shalt  }
0x77: {  	_ =	shalt  }
0x78: {  	_ =	shalt  }
0x79: {  	_ =	shalt  }
0x7a: {  	_ =	shalt  }
0x7b: {  	_ =	shalt  }
0x7c: {  	_ =	shalt  }
0x7d: {  	_ =	shalt  }
0x7e: {  	_ =	shalt  }
0x7f: {  	_ =	shalt  }
0x80: {  	_ =	shalt  }
0x81: {  	_ =	shalt  }
0x82: {  	_ =	shalt  }
0x83: {  	_ =	shalt  }
0x84: {  	_ =	shalt  }
0x85: {  	_ =	shalt  }
0x86: {  	_ =	shalt  }
0x87: {  	_ =	shalt  }
.Lfunc_end0:
.L_simem_size_0:
called_computation_lowered:
.L_overlay_start_0:
0x88: {  	s2 =	sld [smem:$0x3FD9]  }
0x89: {  	s3 =	sld [smem:$0x3FFE];
	_ =	sdelay $0x1  }
0x8a: {  	s1 =	srdreg.scid  }
0x8b: {  	s0 =	sand.u32 $0x1, s1  }
0x8c: {  	s17 =	sshll.u32 s0, $0xA;
	s2 =	sadd.s32 s3, s2  }
0x8d: {  	s2 =	sadd.s32 s2, s17  }
0x8e: {  	[smem:$0x3FC2] =	sst s2  }
0x8f: {  	_ = 	snop  }
0x90: {  	s2 =	sld [smem:$0x3FD0];
	(tm) =	ssettm $0x1  }
0x91: {  	s18 =	sld [smem:$0x3FFB];
	_ =	sdelay $0x3  }
0x92: {  	_ =	strace s18  }
0x93: {  	s3 =	sld [smem:$0x3FFC];
	_ =	sdelay $0x3  }
0x94: {  	_ =	strace s3  }
0x95: {  	s3 =	sld [smem:$0x3FFD];
	_ =	sdelay $0x3  }
0x96: {  	_ =	strace s3  }
0x97: {  	_ =	strace $0x8FFFFFFF  }
0x98: {  	s19 =	sld [smem:$0x3FDB];
	_ =	sdelay $0x1  }
0x99: {  	s4 =	simm.s32 $_scs_section_size  }
0x9a: {  	s5 =	simm.s32 $_size__tile_overlayer_lowered;
	s6 =	simm.s32 $_tile_overlayer_lowered  }
0x9b: {  	s22 =	simm.s32 $0x1BFF;
	s21 =	sshll.u32 s6, $0x1;
	s3 =	sadd.s32 s4, s19  }
0x9c: {  	s7 =	simm.s32 $0x0;
	s20 =	sshll.u32 s5, $0x1;
	s5 =	sadd.s32 s21, s3  }
0x9d: {  	[timem:s7], [sflag:s22] =	dma.local [hbm:s5], s20  }
0x9e: {  	_ =	swait.ge [sflag:s22], s20  }
0x9f: {  	s4 =	ssub.s32 $0x0, s20;
	[sflag:s22] =	ssyncset.done $0x0  }
0xa0: {  	[sflag:s22] =	ssyncadd.s32 s4;
	_ =	sdelay $0x1  }
0xa1: {  	s23 =	simm.s32 $0x1B8B  }
0xa2: {  	_ =	swait.ge [sflag:s23], $0x1  }
0xa3: {  	[sflag:s23] =	ssyncset.done $0x0  }
0xa4: {  	s25 =	simm.s32 $0x1B8E;
	s24 =	sld [smem:$0x3FFE];
	[sflag:s23] =	ssyncadd.s32 $0xFFFFFFFF  }
0xa5: {  	s26 =	simm.s32 $execute0_lowered;
	[smem:$0x3FD2] =	sst s25  }
0xa6: {  	s5 =	sshll.u32 s26, $0x1;
	_ =	strace $0x80000046;
	[dreg:$0x1] =	wrdreg $0xFFFFFFFF  }
0xa7: {  	s28 =	simm.s32 $_size_execute0_lowered;
	s3 =	sadd.s32 s3, s5;
	[dreg:$0x0] =	wrdreg $0x0  }
0xa8: {  	s5 =	sshll.u32 s28, $0x1;
	[dreg:$0x2] =	wrdreg s3  }
0xa9: {  	[dreg:$0x3] =	wrdreg s5  }
0xaa: {  	[dreg:$0x4] =	wrdreg $0xC0  }
0xab: {  	_ =	task [dreg:s7], $0x5FFFF  }
0xac: {  	[dreg:$0x1] =	wrdreg $0xFFFFFFFF  }
0xad: {  	[dreg:$0x0] =	wrdreg $0x60  }
0xae: {  	[dreg:$0x2] =	wrdreg s24  }
0xaf: {  	[dreg:$0x3] =	wrdreg s2  }
0xb0: {  	[dreg:$0x4] =	wrdreg $0x69000  }
0xb1: {  	[dreg:$0x5] =	wrdreg $0x9  }
0xb2: {  	_ =	task.clear_ibuf [dreg:s7], $0x6FFFF;
	_ =	strace $0x90000046  }
0xb3: {  	s29 =	simm.s32 $0x9;
	_ =	strace $0x80000048  }
0xb4: {  	_ =	swait.ge [sflag:s29], $0x1  }
0xb5: {  	[sflag:s29] =	ssyncadd.s32 $0xFFFFFFFF  }
0xb6: {  	_ =	strace $0x90000048  }
0xb7: {  	_ =	sfence  }
0xb8: {  	s30 =	sld [smem:$0x0];
	_ =	sdelay $0x2  }
0xb9: {  	s31 =	sshll.u32 s1, $0xD;
	s1 =	sshrl.u32 s1, $0x2  }
0xba: {  	s3 =	sand.u32 $0x4000, s31;
	s1 =	sadd.s32 s1, s30  }
0xbb: {  	s0 =	sor.u32 s3, s0;
	s1 =	sshll.u32 s1, $0x11  }
0xbc: {  	s0 =	sor.u32 s1, s0  }
0xbd: {  	s0 =	sadd.s32 $0x8F2B, s0  }
0xbe: {  	[sflag:s0] =	ssyncadd.remote.s32 $0x1  }
0xbf: {  	_ =	sfence.sel $0xFFFF  }
0xc0: {  	[dreg:$0x0] =	wrdreg $0xFFFFFFFF;
	(pc) =	sbr.abs _section_cstart, $3  }
0xc1: {  	[dreg:$0x1] =	wrdreg $0xFFFFFFFF  }
0xc2: {  	_ =	task.clear_ibuf [dreg:s7], $0x2FFFF;
	_ =	strace $0x9FFFFFFF  }
0xc3: {  	(tm) =	ssettm $0x7FFFFFFF  }
tec
execute0_lowered:
.L_overlay_start_1:
0x0: {  	(tag) =	ssettag $0x1  }
0x1: {  	s5 =	rddreg [dreg:$0x0]  }
0x2: {  	s6 =	rddreg [dreg:$0x1]  }
0x3: {  	s1 =	rddreg [dreg:$0x2]  }
0x4: {  	s2 =	srdreg.scid;
	s0 =	rddreg [dreg:$0x3]  }
0x5: {  	s3 =	simm.s32 $0x0;
	s13 =	simm.s32 $0x1;
	s14 =	simm.s32 $0x2900  }
0x6: {  	s15 =	simm.s32 $0x80;
	s16 =	simm.s32 $0x2800;
	s17 =	simm.s32 $0x2880  }
0x7: {  	s20 =	simm.s32 $0x0;
	s7 =	sand.u32 $0x1, s2;
	s2 =	stileid.u32  }
0x8: {  	[smem:$0x7FF] =	sst s3;
	s4 =	sadd.s32 $0xA00, s5;
	s8 =	smul.u32 $0x140000, s7  }
0x9: {  	s9 =	smul.u32 $0x14000, s2;
	_ =	strace $0x80000047;
	s10 =	sshll.u32 s7, $0x4  }
0xa: {  	s29 =	smul.u32 $0x50000, s2;
	s7 =	ssub.s32 $0x2, s7;
	s18 =	sshll.u32 s2, $0x6  }
0xb: {  	s28 =	sor.u32 s2, s10;
	s30 =	sshrl.u32 s7, $0x1;
	s18 =	sor.u32 $0x1C01, s18  }
0xc: {  	s8 =	sadd.s32 s9, s8;
	s9 =	smul.u32 $0x500, s28;
	s12 =	ssub.s32 s7, s30  }
0xd: {  	s31 =	sshrl.u32 s29, $0x2;
	s8 =	sshrl.u32 s8, $0x3;
	s12 =	smax.u32 s12, $0x1  }
0xe: {  	s11 =	sadd.s32 s8, s5;
	s5 =	sadd.s32 s6, s9;
	s6 =	sadd.s32 s31, s1  }
0xf: {  	s7 =	sadd.s32 $0x4000, s6;
	s8 =	sadd.s32 $0x8000, s6;
	s9 =	sadd.s32 $0xC000, s6  }
0x10: {  	v0 =	vimm.f32 $0.0e+00;
	s10 =	sadd.s32 $0x10000, s6;
	s11 =	sadd.s32 $0x28A00, s11;
	s19 =	sshrl.u32 s6, $0x3  }
.LBB2_1:
0x11: {  	[tilespmem:s3], [sflag:$0x1] =	stream.linear.gather [hbm4b:s5+s3], $0x2780, $0x38;
	[tilespmem:$0x1A900] =	vst v63  }
0x12: {  	_ =	swait.ge [sflag:s13], $0x2780  }
0x13: {  	[sflag:s13] =	ssyncset.done $0x0  }
0x14: {  	s21 =	simm.s32 $0x0;
	s22 =	simm.s32 $0x200;
	[sflag:s13] =	ssyncadd.s32 $0xFFFFD880  }
.LBB2_2:
0x15: {  	p0 =	sne.s32 s22, $0xFE00;
	[tilespmem:s21+$0x2970] =	vst v0  }
0x16: {  	[tilespmem:s21+$0x2900] =	vst v0  }
0x17: {  	[tilespmem:s21+$0x2910] =	vst v0  }
.Ltmp0:
0x18: {  	[tilespmem:s21+$0x2920] =	vst v0;
	(pc) =	sbr.rel @p0 .LBB2_2-.Ltmp0, $4  }
0x19: {  	[tilespmem:s21+$0x2930] =	vst v0  }
0x1a: {  	[tilespmem:s21+$0x2940] =	vst v0  }
0x1b: {  	[tilespmem:s21+$0x2950] =	vst v0  }
0x1c: {  	[tilespmem:s21+$0x2960] =	vst v0;
	s21 =	sshra.s32 s22, $0x2;
	s22 =	sadd.s32 $0x200, s22  }
0x1d: {  	[tilespmem:s21+$0x2970] =	vst v0  }
0x1e: {  	[tilespmem:s21+$0x2900] =	vst v0  }
0x1f: {  	[tilespmem:s21+$0x2910] =	vst v0  }
0x20: {  	[tilespmem:s21+$0x2920] =	vst v0  }
0x21: {  	[tilespmem:s21+$0x2930] =	vst v0  }
0x22: {  	[tilespmem:s21+$0x2940] =	vst v0  }
0x23: {  	[tilespmem:s21+$0x2950] =	vst v0  }
0x24: {  	[tilespmem:s21+$0x2960] =	vst v0  }
0x25: {  	[spmem:s6] =	stream.linear.scatter [tilespmem:s14], [sflag:$0x1], $0x4000, $0x38;
	[tilespmem:$0x1A900] =	vst v63  }
0x26: {  	_ =	swait.ge [sflag:s13], $0x4000  }
0x27: {  	[sflag:s13] =	ssyncset.done $0x0  }
0x28: {  	[sflag:s13] =	ssyncadd.s32 $0xFFFFC000  }
0x29: {  	[spmem:s7] =	stream.linear.scatter [tilespmem:s14], [sflag:$0x1], $0x4000, $0x38;
	[tilespmem:$0x1A900] =	vst v63  }
0x2a: {  	_ =	swait.ge [sflag:s13], $0x4000  }
0x2b: {  	[sflag:s13] =	ssyncset.done $0x0  }
0x2c: {  	[sflag:s13] =	ssyncadd.s32 $0xFFFFC000  }
0x2d: {  	[spmem:s8] =	stream.linear.scatter [tilespmem:s14], [sflag:$0x1], $0x4000, $0x38;
	[tilespmem:$0x1A900] =	vst v63  }
0x2e: {  	_ =	swait.ge [sflag:s13], $0x4000  }
0x2f: {  	[sflag:s13] =	ssyncset.done $0x0  }
0x30: {  	[sflag:s13] =	ssyncadd.s32 $0xFFFFC000  }
0x31: {  	[spmem:s9] =	stream.linear.scatter [tilespmem:s14], [sflag:$0x1], $0x4000, $0x38;
	[tilespmem:$0x1A900] =	vst v63  }
0x32: {  	_ =	swait.ge [sflag:s13], $0x4000  }
0x33: {  	[sflag:s13] =	ssyncset.done $0x0  }
0x34: {  	[sflag:s13] =	ssyncadd.s32 $0xFFFFC000  }
0x35: {  	[spmem:s10] =	stream.linear.scatter [tilespmem:s14], [sflag:$0x1], $0x4000, $0x38;
	[tilespmem:$0x1A900] =	vst v63  }
0x36: {  	_ =	swait.ge [sflag:s13], $0x4000  }
0x37: {  	[sflag:s13] =	ssyncset.done $0x0  }
0x38: {  	[sflag:s13] =	ssyncadd.s32 $0xFFFFC000  }
0x39: {  	s31 =	simm.s32 $0x0;
	[bflag:$0x0] =	sbarrier.arrive $0xFFFF  }
0x3a: {  	v1 =	vld [tilespmem:s31+$0x0];
	_ =	sdelay $0x4  }
0x3b: {  	v2 =	vand.u32 $0x3FFF, v1  }
0x3c: {  	v1 =	vshrl.u32 v1, $0xE;
	[tilespmem:$0x2800] =	vst v2  }
0x3d: {  	[tilespmem:$0x2880] =	vst v1  }
0x3e: {  	v1 =	vld [tilespmem:s31+$0x10];
	_ =	sdelay $0x4  }
0x3f: {  	v2 =	vand.u32 $0x3FFF, v1  }
0x40: {  	v1 =	vshrl.u32 v1, $0xE;
	[tilespmem:$0x2810] =	vst v2  }
0x41: {  	[tilespmem:$0x2890] =	vst v1  }
0x42: {  	v1 =	vld [tilespmem:s31+$0x20];
	_ =	sdelay $0x4  }
0x43: {  	v2 =	vand.u32 $0x3FFF, v1  }
0x44: {  	v1 =	vshrl.u32 v1, $0xE;
	[tilespmem:$0x2820] =	vst v2  }
0x45: {  	[tilespmem:$0x28A0] =	vst v1  }
0x46: {  	v1 =	vld [tilespmem:s31+$0x30];
	_ =	sdelay $0x4  }
0x47: {  	v2 =	vand.u32 $0x3FFF, v1  }
0x48: {  	v1 =	vshrl.u32 v1, $0xE;
	[tilespmem:$0x2830] =	vst v2  }
0x49: {  	[tilespmem:$0x28B0] =	vst v1  }
0x4a: {  	v1 =	vld [tilespmem:s31+$0x40];
	_ =	sdelay $0x4  }
0x4b: {  	v2 =	vand.u32 $0x3FFF, v1  }
0x4c: {  	v1 =	vshrl.u32 v1, $0xE;
	[tilespmem:$0x2840] =	vst v2  }
0x4d: {  	[tilespmem:$0x28C0] =	vst v1  }
0x4e: {  	v1 =	vld [tilespmem:s31+$0x50];
	_ =	sdelay $0x4  }
0x4f: {  	v2 =	vand.u32 $0x3FFF, v1  }
0x50: {  	v1 =	vshrl.u32 v1, $0xE;
	[tilespmem:$0x2850] =	vst v2  }
0x51: {  	[tilespmem:$0x28D0] =	vst v1  }
0x52: {  	v1 =	vld [tilespmem:s31+$0x60];
	_ =	sdelay $0x4  }
0x53: {  	v2 =	vand.u32 $0x3FFF, v1  }
0x54: {  	v1 =	vshrl.u32 v1, $0xE;
	[tilespmem:$0x2860] =	vst v2  }
0x55: {  	[tilespmem:$0x28E0] =	vst v1  }
0x56: {  	v1 =	vld [tilespmem:s31+$0x70];
	_ =	sdelay $0x4  }
0x57: {  	v2 =	vand.u32 $0x3FFF, v1  }
0x58: {  	s21 =	simm.s32 $0x200;
	v1 =	vshrl.u32 v1, $0xE;
	[tilespmem:$0x2870] =	vst v2  }
.LBB2_4:
0x59: {  	p0 =	sne.s32 s21, $0x9C00;
	[tilespmem:$0x28F0] =	vst v1;
	s22 =	smov.u32 s21;
	s21 =	sadd.s32 $0x200, s21  }
0x5a: {  	[tilespmem:s14], [sflag:$0x1] =	stream.indirect.gather [hbm4b:s4+s15], $0x80, s16, s15, $0xb8;
	[tilespmem:$0x1A900] =	vst v63  }
0x5b: {  	_ =	swait.ge [sflag:s13], $0x4000  }
0x5c: {  	[sflag:s13] =	ssyncset.done $0x0  }
0x5d: {  	[sflag:s13] =	ssyncadd.s32 $0xFFFFC000  }
0x5e: {  	[spmem:s1] =	stream.indirect.scatter.add.f32 [tilespmem:s14], [sflag:$0x1], $0x80, s17, s15, $0xb8;
	[tilespmem:$0x1A900] =	vst v63  }
0x5f: {  	_ =	swait.ge [sflag:s13], $0x4000  }
0x60: {  	[sflag:s13] =	ssyncset.done $0x0  }
0x61: {  	s22 =	sshra.s32 s22, $0x2;
	[sflag:s13] =	ssyncadd.s32 $0xFFFFC000  }
0x62: {  	v1 =	vld [tilespmem:s22+$0x0];
	_ =	sdelay $0x4  }
0x63: {  	v2 =	vand.u32 $0x3FFF, v1;
	v1 =	vshrl.u32 v1, $0xE  }
0x64: {  	[tilespmem:$0x2800] =	vst v2  }
0x65: {  	[tilespmem:$0x2880] =	vst v1  }
0x66: {  	v1 =	vld [tilespmem:s22+$0x10];
	_ =	sdelay $0x4  }
0x67: {  	v2 =	vand.u32 $0x3FFF, v1;
	v1 =	vshrl.u32 v1, $0xE  }
0x68: {  	[tilespmem:$0x2810] =	vst v2  }
0x69: {  	[tilespmem:$0x2890] =	vst v1  }
0x6a: {  	v1 =	vld [tilespmem:s22+$0x20];
	_ =	sdelay $0x4  }
0x6b: {  	v2 =	vand.u32 $0x3FFF, v1;
	v1 =	vshrl.u32 v1, $0xE  }
0x6c: {  	[tilespmem:$0x2820] =	vst v2  }
0x6d: {  	[tilespmem:$0x28A0] =	vst v1  }
0x6e: {  	v1 =	vld [tilespmem:s22+$0x30];
	_ =	sdelay $0x4  }
0x6f: {  	v2 =	vand.u32 $0x3FFF, v1;
	v1 =	vshrl.u32 v1, $0xE  }
0x70: {  	[tilespmem:$0x2830] =	vst v2  }
0x71: {  	[tilespmem:$0x28B0] =	vst v1  }
0x72: {  	v1 =	vld [tilespmem:s22+$0x40];
	_ =	sdelay $0x4  }
0x73: {  	v2 =	vand.u32 $0x3FFF, v1;
	v1 =	vshrl.u32 v1, $0xE  }
0x74: {  	[tilespmem:$0x2840] =	vst v2  }
0x75: {  	[tilespmem:$0x28C0] =	vst v1  }
0x76: {  	v1 =	vld [tilespmem:s22+$0x50];
	_ =	sdelay $0x4  }
0x77: {  	v2 =	vand.u32 $0x3FFF, v1;
	v1 =	vshrl.u32 v1, $0xE  }
0x78: {  	[tilespmem:$0x2850] =	vst v2  }
0x79: {  	[tilespmem:$0x28D0] =	vst v1  }
0x7a: {  	v1 =	vld [tilespmem:s22+$0x60];
	_ =	sdelay $0x4  }
0x7b: {  	v2 =	vand.u32 $0x3FFF, v1;
	v1 =	vshrl.u32 v1, $0xE  }
0x7c: {  	[tilespmem:$0x2860] =	vst v2  }
0x7d: {  	[tilespmem:$0x28E0] =	vst v1  }
0x7e: {  	v1 =	vld [tilespmem:s22+$0x70];
	_ =	sdelay $0x1  }
.Ltmp1:
0x7f: {  	(pc) =	sbr.rel @p0 .LBB2_4-.Ltmp1, $3  }
0x80: {  	_ =	sdelay $0x1  }
0x81: {  	v2 =	vand.u32 $0x3FFF, v1;
	v1 =	vshrl.u32 v1, $0xE  }
0x82: {  	[tilespmem:$0x2870] =	vst v2  }
0x83: {  	[tilespmem:$0x28F0] =	vst v1  }
0x84: {  	[tilespmem:s14], [sflag:$0x1] =	stream.indirect.gather [hbm4b:s4+s15], $0x80, s16, s15, $0xb8;
	[tilespmem:$0x1A900] =	vst v63  }
0x85: {  	_ =	swait.ge [sflag:s13], $0x4000  }
0x86: {  	[sflag:s13] =	ssyncset.done $0x0  }
0x87: {  	[sflag:s13] =	ssyncadd.s32 $0xFFFFC000  }
0x88: {  	[spmem:s1] =	stream.indirect.scatter.add.f32 [tilespmem:s14], [sflag:$0x1], $0x80, s17, s15, $0xb8;
	[tilespmem:$0x1A900] =	vst v63  }
0x89: {  	_ =	swait.ge [sflag:s13], $0x4000  }
0x8a: {  	s20 =	sadd.s32 $0x1, s20;
	[sflag:s13] =	ssyncset.done $0x0  }
0x8b: {  	p0 =	sne.s32 s20, s12;
	[sflag:s13] =	ssyncadd.s32 $0xFFFFC000  }
.Ltmp2:
0x8c: {  	[bflag:$0x0] =	sbarrier.arrive $0xFFFF;
	(pc) =	sbr.rel @p0 .LBB2_1-.Ltmp2, $4  }
0x8d: {  	[hbm:s11], [sflag:s18] =	dma.local [spmem:s19], $0x2800  }
0x8e: {  	_ =	swait.ge [sflag:s13], $0x2800  }
0x8f: {  	[sflag:s13] =	ssyncset.done $0x0  }
0x90: {  	[sflag:s13] =	ssyncadd.s32 $0xFFFFD800  }
0x91: {  	_ =	sfence.sel $0x180000  }
0x92: {  	[bflag:$0x0] =	sbarrier.arrive $0xFFFF  }
0x93: {  	p0 =	sne.s32 s2, $0x0;
	_ =	strace $0x90000047  }
0x94: {  	s0 =	sadd.s32 @!p0 $0x100000, s0;
	[bflag:$0x2] =	sbarrier.arrive $0xFFFF  }
0x95: {  	[sflag:s0] =	ssyncadd.tile.s32 @!p0 $0x1;
	_ =	shalt  }
.Lfunc_end2:
_tile_overlayer_lowered:
.L_overlay_start_2:
0x96: {  	(tag) =	ssettag $0x2  }
0x97: {  	s0 =	rddreg [dreg:$0x0];
	s2 =	stileid.u32  }
0x98: {  	s1 =	rddreg [dreg:$0x1];
	p0 =	sne.s32 s2, $0x0  }
0x99: {  	s3 =	rddreg [dreg:$0x2];
	[bflag:$0x3] =	sbarrier.arrive $0xFFFF;
	s2 =	simm.s32 @!p0 $0x1C01  }
0x9a: {  	[timem:s3], [sflag:s2] =	dma.local @!p0 [hbm:s0], s1  }
0x9b: {  	s0 =	simm.s32 @!p0 $0x1  }
0x9c: {  	_ =	swait.ge @!p0 [sflag:s0], s1  }
0x9d: {  	s1 =	ssub.s32 @!p0 $0x0, s1;
	[sflag:s0] =	ssyncset.done @!p0 $0x0  }
0x9e: {  	[sflag:s0] =	ssyncadd.s32 @!p0 s1  }
0x9f: {  	[bflag:$0x3] =	sbarrier.arrive $0xFFFF  }
0xa0: {  	_ =	shalt  }

</sc_bundles>
